<compile_context>
chip_gen: v7x
topology: tpu7x:2x2x1
jax: 0.10.2.dev20260603
libtpu: 0.0.44.dev20260713+nightly
codegen_flags: <defaults>
</compile_context>

<pallas_src>
import functools

import jax
import jax.numpy as jnp
from jax import lax
from jax.experimental import pallas as pl
from jax.experimental.pallas import tpu as pltpu
from jax.experimental.pallas import tpu_sc as plsc


_BM = 400


def _mm_body(s_ref, x_ref, w_ref, o_ref):
    sx = jnp.dot(s_ref[...], x_ref[...], preferred_element_type=jnp.float32)
    o_ref[...] = jnp.dot(sx, w_ref[...], preferred_element_type=jnp.float32)


def _spmm(sup, x, w):
    n, k = sup.shape
    d = w.shape[1]
    return pl.pallas_call(
        _mm_body,
        grid=(n // _BM,),
        in_specs=[
            pl.BlockSpec((_BM, k), lambda i: (i, 0)),
            pl.BlockSpec((k, x.shape[1]), lambda i: (0, 0)),
            pl.BlockSpec(w.shape, lambda i: (0, 0)),
        ],
        out_specs=pl.BlockSpec((_BM, d), lambda i: (i, 0)),
        out_shape=jax.ShapeDtypeStruct((n, d), jnp.float32),
    )(sup, x, w)



_NW = 32
_CHUNK = 80
_CPW = 4


def _make_gather(n, d):
    mesh = plsc.VectorSubcoreMesh(core_axis_name="c", subcore_axis_name="s")
    n_chunks = n // _CHUNK
    per_w = _CPW * _CHUNK
    tail_wid = n_chunks // _CPW
    tail_count = n_chunks % _CPW

    @functools.partial(
        pl.kernel,
        mesh=mesh,
        out_type=jax.ShapeDtypeStruct((n, d), jnp.float32),
        scratch_types=[
            pltpu.VMEM((per_w,), jnp.int32),
            pltpu.VMEM((_CPW, _CHUNK, d), jnp.float32),
            pltpu.SemaphoreType.DMA,
            pltpu.SemaphoreType.DMA,
        ],
    )
    def gk(table_hbm, idx_hbm, out_hbm, idx_v, rows_v, gsem, wsem):
        wid = lax.axis_index("s") * 2 + lax.axis_index("c")
        base = wid * per_w

        @pl.when(wid < tail_wid)
        def _full():
            pltpu.sync_copy(idx_hbm.at[pl.ds(base, per_w)], idx_v)
            gathers = [
                pltpu.async_copy(
                    table_hbm.at[idx_v.at[pl.ds(c * _CHUNK, _CHUNK)]],
                    rows_v.at[c], gsem)
                for c in range(_CPW)
            ]
            writes = []
            for c in range(_CPW):
                gathers[c].wait()
                writes.append(pltpu.async_copy(
                    rows_v.at[c],
                    out_hbm.at[pl.ds(base + c * _CHUNK, _CHUNK)],
                    wsem))
            for wr in writes:
                wr.wait()

        @pl.when(wid == tail_wid)
        def _tail():
            for c in range(tail_count):
                pltpu.sync_copy(
                    idx_hbm.at[pl.ds(base + c * _CHUNK, _CHUNK)],
                    idx_v.at[pl.ds(c * _CHUNK, _CHUNK)])
                pltpu.async_copy(
                    table_hbm.at[idx_v.at[pl.ds(c * _CHUNK, _CHUNK)]],
                    rows_v.at[c], gsem).wait()
                pltpu.sync_copy(
                    rows_v.at[c],
                    out_hbm.at[pl.ds(base + c * _CHUNK, _CHUNK)])

    return gk


def kernel(x, selected_index, support, w):
    n = x.shape[0]
    s = _spmm(support[0], x, w)
    for i in range(1, support.shape[0]):
        s = s + _spmm(support[i], x, w)
    return _make_gather(n, w.shape[1])(s, selected_index.astype(jnp.int32))

# --- scband reference (transcript-rebuilt; emitter-appended) ---
"""Pipeline reference for scband-ginconvolution-39247411151130 (READ-ONLY COPY).

The authoritative reference and input builder live on the scoring server;
editing this copy changes nothing except your own understanding.
"""

import jax, jax.numpy as jnp
import numpy as np

N = 10000
D_IN = 128
D_OUT = 128
EPS = -1.0

def setup_inputs(seed: int = 0) -> dict:
    key = jax.random.key(seed)
    k1, k2, k3, k4 = jax.random.split(key, 4)
    x = jax.random.normal(k1, (N, D_IN), dtype=jnp.float32)
    selected_index = jax.random.randint(k2, (N,), 0, N, dtype=jnp.int64) if jax.config.jax_enable_x64 else jax.random.randint(k2, (N,), 0, N, dtype=jnp.int32)
    # support: list of dense adjacency matrices; here one matrix, stacked on axis 0
    support = jax.random.normal(k3, (1, N, N), dtype=jnp.float32) * 0.01
    # learned parameter (num_mlp_layers == 1 path): w ~ randn(input_dim, output_dim)
    w = jax.random.normal(k4, (D_IN, D_OUT), dtype=jnp.float32)
    return {"x": x, "selected_index": selected_index, "support": support, "w": w}

def reference(x, selected_index, support, w):
    # GINConvolution.forward with featureless=False, num_mlp_layers=1, bias=False, eps=-1 (not trained)
    AX = None
    for i in range(support.shape[0]):
        A = jnp.take(support[i], selected_index, axis=0)  # gather rows: A = support[i][selected_index]
        if AX is None:
            AX = A @ x
        else:
            AX = AX + A @ x
    out = (AX + 0.1 * (1.0 + EPS) * x) @ w
    return out

if __name__ == "__main__":
    import jax
    _d = setup_inputs()
    print(jax.jit(kernel)(*tuple(_d.values())))

</pallas_src>

<mosaic_0001>
#map = affine_map<(d0, d1) -> (0, 0)>
#map1 = affine_map<(d0, d1) -> (0)>
module attributes {stable_mosaic.version = 14 : i64} {
  func.func @gk(%arg0: i32, %arg1: i32, %arg2: memref<10000x128xf32, #tpu.memory_space<hbm>>, %arg3: memref<10000xi32, #tpu.memory_space<hbm>>, %arg4: memref<10000x128xf32, #tpu.memory_space<hbm>>, %arg5: memref<320xi32, #tpu.memory_space<vmem>>, %arg6: memref<4x80x128xf32, #tpu.memory_space<vmem>>, %arg7: memref<!tpu.dma_semaphore, #tpu.memory_space<semaphore_mem>>, %arg8: memref<!tpu.dma_semaphore, #tpu.memory_space<semaphore_mem>>) attributes {dimension_semantics = [#tpu.dimension_semantics<core_parallel>, #tpu.dimension_semantics<subcore_parallel>], iteration_bounds = array<i64: 2, 16>, scalar_prefetch = 0 : i64, scratch_operands = 4 : i64, tpu.core_type = #tpu.core_type<sc_vector_subcore>, window_params = [{transform_indices = #map}, {transform_indices = #map1}, {transform_indices = #map}]} {
    %mul3A = arith.constant 2 : i32
    %mul3A_0 = arith.muli %arg1, %mul3A : i32
    %add3A = arith.addi %mul3A_0, %arg0 : i32
    %mul3A_1 = arith.constant 320 : i32
    %mul3A_2 = arith.muli %add3A, %mul3A_1 : i32
    %lt3A = arith.constant 31 : i32
    %lt3A_3 = arith.cmpi slt, %add3A, %lt3A : i32
    %convert_element_type3A = arith.extui %lt3A_3 : i1 to i32
    %cond3A = arith.constant 0 : i32
    %cond3A_4 = arith.cmpi ne, %convert_element_type3A, %cond3A : i32
    scf.if %cond3A_4 {
      "tpu.region"() ({
        %run_scoped3A = tpu.sem_alloc : memref<!tpu.dma_semaphore, #tpu.memory_space<semaphore_mem>>
        %dma_start3A_199 = tpu.memref_slice %arg3[%mul3A_2] : memref<10000xi32, #tpu.memory_space<hbm>> -> memref<320xi32, #tpu.memory_space<hbm>>
        %dma_start3A_200 = tpu.memref_slice %arg3[%mul3A_2] : memref<10000xi32, #tpu.memory_space<hbm>> -> memref<320xi32, #tpu.memory_space<hbm>>
        tpu.enqueue_dma source(%dma_start3A_200 : memref<320xi32, #tpu.memory_space<hbm>>) target(%arg5 : memref<320xi32, #tpu.memory_space<vmem>>) target_semaphore(%run_scoped3A : memref<!tpu.dma_semaphore, #tpu.memory_space<semaphore_mem>>)
        %dma_wait3A_201 = tpu.memref_slice %arg3[%mul3A_2] : memref<10000xi32, #tpu.memory_space<hbm>> -> memref<320xi32, #tpu.memory_space<hbm>>
        %dma_wait3A_202 = tpu.memref_slice %arg3[%mul3A_2] : memref<10000xi32, #tpu.memory_space<hbm>> -> memref<320xi32, #tpu.memory_space<hbm>>
        tpu.wait_dma2 semaphore(%run_scoped3A : memref<!tpu.dma_semaphore, #tpu.memory_space<semaphore_mem>>) src(%dma_wait3A_202 : memref<320xi32, #tpu.memory_space<hbm>>) dst(%arg5 : memref<320xi32, #tpu.memory_space<vmem>>)
        tpu.yield
      }) : () -> ()
      %dma_start3A = arith.constant 0 : i32
      %dma_start3A_9 = arith.constant 0 : i32
      %dma_start3A_10 = arith.constant 0 : i32
      %dma_start3A_11 = tpu.memref_slice %arg6[%dma_start3A, %dma_start3A_9, %dma_start3A_10] : memref<4x80x128xf32, #tpu.memory_space<vmem>> -> memref<1x80x128xf32, #tpu.memory_space<vmem>>
      %dma_start3A_12 = tpu.memref_squeeze %dma_start3A_11 : memref<1x80x128xf32, #tpu.memory_space<vmem>> -> memref<80x128xf32, #tpu.memory_space<vmem>>
      %dma_start3A_13 = arith.constant 0 : i32
      %dma_start3A_14 = tpu.memref_slice %arg5[%dma_start3A_13] : memref<320xi32, #tpu.memory_space<vmem>> -> memref<80xi32, #tpu.memory_space<vmem>>
      %dma_start3A_15 = arith.constant 0 : i32
      %dma_start3A_16 = arith.constant 0 : i32
      %dma_start3A_17 = tpu.memref_slice %arg2[%dma_start3A_15, %dma_start3A_16] : memref<10000x128xf32, #tpu.memory_space<hbm>> -> memref<10000x128xf32, #tpu.memory_space<hbm>>
      tpu.enqueue_indirect_dma source(%dma_start3A_17 : memref<10000x128xf32, #tpu.memory_space<hbm>>) target(%dma_start3A_12 : memref<80x128xf32, #tpu.memory_space<vmem>>) offsets(%dma_start3A_14 : memref<80xi32, #tpu.memory_space<vmem>>) semaphore(%arg7 : memref<!tpu.dma_semaphore, #tpu.memory_space<semaphore_mem>>)
      %dma_start3A_18 = arith.constant 1 : i32
      %dma_start3A_19 = arith.constant 0 : i32
      %dma_start3A_20 = arith.constant 0 : i32
      %dma_start3A_21 = tpu.memref_slice %arg6[%dma_start3A_18, %dma_start3A_19, %dma_start3A_20] : memref<4x80x128xf32, #tpu.memory_space<vmem>> -> memref<1x80x128xf32, #tpu.memory_space<vmem>>
      %dma_start3A_22 = tpu.memref_squeeze %dma_start3A_21 : memref<1x80x128xf32, #tpu.memory_space<vmem>> -> memref<80x128xf32, #tpu.memory_space<vmem>>
      %dma_start3A_23 = arith.constant 80 : i32
      %dma_start3A_24 = tpu.memref_slice %arg5[%dma_start3A_23] : memref<320xi32, #tpu.memory_space<vmem>> -> memref<80xi32, #tpu.memory_space<vmem>>
      %dma_start3A_25 = arith.constant 0 : i32
      %dma_start3A_26 = arith.constant 0 : i32
      %dma_start3A_27 = tpu.memref_slice %arg2[%dma_start3A_25, %dma_start3A_26] : memref<10000x128xf32, #tpu.memory_space<hbm>> -> memref<10000x128xf32, #tpu.memory_space<hbm>>
      tpu.enqueue_indirect_dma source(%dma_start3A_27 : memref<10000x128xf32, #tpu.memory_space<hbm>>) target(%dma_start3A_22 : memref<80x128xf32, #tpu.memory_space<vmem>>) offsets(%dma_start3A_24 : memref<80xi32, #tpu.memory_space<vmem>>) semaphore(%arg7 : memref<!tpu.dma_semaphore, #tpu.memory_space<semaphore_mem>>)
      %dma_start3A_28 = arith.constant 2 : i32
      %dma_start3A_29 = arith.constant 0 : i32
      %dma_start3A_30 = arith.constant 0 : i32
      %dma_start3A_31 = tpu.memref_slice %arg6[%dma_start3A_28, %dma_start3A_29, %dma_start3A_30] : memref<4x80x128xf32, #tpu.memory_space<vmem>> -> memref<1x80x128xf32, #tpu.memory_space<vmem>>
      %dma_start3A_32 = tpu.memref_squeeze %dma_start3A_31 : memref<1x80x128xf32, #tpu.memory_space<vmem>> -> memref<80x128xf32, #tpu.memory_space<vmem>>
      %dma_start3A_33 = arith.constant 160 : i32
      %dma_start3A_34 = tpu.memref_slice %arg5[%dma_start3A_33] : memref<320xi32, #tpu.memory_space<vmem>> -> memref<80xi32, #tpu.memory_space<vmem>>
      %dma_start3A_35 = arith.constant 0 : i32
      %dma_start3A_36 = arith.constant 0 : i32
      %dma_start3A_37 = tpu.memref_slice %arg2[%dma_start3A_35, %dma_start3A_36] : memref<10000x128xf32, #tpu.memory_space<hbm>> -> memref<10000x128xf32, #tpu.memory_space<hbm>>
      tpu.enqueue_indirect_dma source(%dma_start3A_37 : memref<10000x128xf32, #tpu.memory_space<hbm>>) target(%dma_start3A_32 : memref<80x128xf32, #tpu.memory_space<vmem>>) offsets(%dma_start3A_34 : memref<80xi32, #tpu.memory_space<vmem>>) semaphore(%arg7 : memref<!tpu.dma_semaphore, #tpu.memory_space<semaphore_mem>>)
      %dma_start3A_38 = arith.constant 3 : i32
      %dma_start3A_39 = arith.constant 0 : i32
      %dma_start3A_40 = arith.constant 0 : i32
      %dma_start3A_41 = tpu.memref_slice %arg6[%dma_start3A_38, %dma_start3A_39, %dma_start3A_40] : memref<4x80x128xf32, #tpu.memory_space<vmem>> -> memref<1x80x128xf32, #tpu.memory_space<vmem>>
      %dma_start3A_42 = tpu.memref_squeeze %dma_start3A_41 : memref<1x80x128xf32, #tpu.memory_space<vmem>> -> memref<80x128xf32, #tpu.memory_space<vmem>>
      %dma_start3A_43 = arith.constant 240 : i32
      %dma_start3A_44 = tpu.memref_slice %arg5[%dma_start3A_43] : memref<320xi32, #tpu.memory_space<vmem>> -> memref<80xi32, #tpu.memory_space<vmem>>
      %dma_start3A_45 = arith.constant 0 : i32
      %dma_start3A_46 = arith.constant 0 : i32
      %dma_start3A_47 = tpu.memref_slice %arg2[%dma_start3A_45, %dma_start3A_46] : memref<10000x128xf32, #tpu.memory_space<hbm>> -> memref<10000x128xf32, #tpu.memory_space<hbm>>
      tpu.enqueue_indirect_dma source(%dma_start3A_47 : memref<10000x128xf32, #tpu.memory_space<hbm>>) target(%dma_start3A_42 : memref<80x128xf32, #tpu.memory_space<vmem>>) offsets(%dma_start3A_44 : memref<80xi32, #tpu.memory_space<vmem>>) semaphore(%arg7 : memref<!tpu.dma_semaphore, #tpu.memory_space<semaphore_mem>>)
      %dma_wait3A = arith.constant 0 : i32
      %dma_wait3A_48 = arith.constant 0 : i32
      %dma_wait3A_49 = arith.constant 0 : i32
      %dma_wait3A_50 = tpu.memref_slice %arg6[%dma_wait3A, %dma_wait3A_48, %dma_wait3A_49] : memref<4x80x128xf32, #tpu.memory_space<vmem>> -> memref<1x80x128xf32, #tpu.memory_space<vmem>>
      %dma_wait3A_51 = tpu.memref_squeeze %dma_wait3A_50 : memref<1x80x128xf32, #tpu.memory_space<vmem>> -> memref<80x128xf32, #tpu.memory_space<vmem>>
      %dma_wait3A_52 = arith.constant 0 : i32
      %dma_wait3A_53 = tpu.memref_slice %arg5[%dma_wait3A_52] : memref<320xi32, #tpu.memory_space<vmem>> -> memref<80xi32, #tpu.memory_space<vmem>>
      %dma_wait3A_54 = arith.constant 0 : i32
      %dma_wait3A_55 = arith.constant 0 : i32
      %dma_wait3A_56 = tpu.memref_slice %arg2[%dma_wait3A_54, %dma_wait3A_55] : memref<10000x128xf32, #tpu.memory_space<hbm>> -> memref<10000x128xf32, #tpu.memory_space<hbm>>
      tpu.wait_indirect_dma semaphore(%arg7 : memref<!tpu.dma_semaphore, #tpu.memory_space<semaphore_mem>>) src(%dma_wait3A_56 : memref<10000x128xf32, #tpu.memory_space<hbm>>) dst(%dma_wait3A_51 : memref<80x128xf32, #tpu.memory_space<vmem>>)
      %add3A_57 = arith.constant 0 : i32
      %add3A_58 = arith.addi %mul3A_2, %add3A_57 : i32
      %dma_start3A_59 = arith.constant 0 : i32
      %dma_start3A_60 = arith.constant 0 : i32
      %dma_start3A_61 = arith.constant 0 : i32
      %dma_start3A_62 = tpu.memref_slice %arg6[%dma_start3A_59, %dma_start3A_60, %dma_start3A_61] : memref<4x80x128xf32, #tpu.memory_space<vmem>> -> memref<1x80x128xf32, #tpu.memory_space<vmem>>
      %dma_start3A_63 = tpu.memref_squeeze %dma_start3A_62 : memref<1x80x128xf32, #tpu.memory_space<vmem>> -> memref<80x128xf32, #tpu.memory_space<vmem>>
      %dma_start3A_64 = arith.constant 0 : i32
      %dma_start3A_65 = tpu.memref_slice %arg4[%add3A_58, %dma_start3A_64] : memref<10000x128xf32, #tpu.memory_space<hbm>> -> memref<80x128xf32, #tpu.memory_space<hbm>>
      %dma_start3A_66 = arith.constant 0 : i32
      %dma_start3A_67 = tpu.memref_slice %arg4[%add3A_58, %dma_start3A_66] : memref<10000x128xf32, #tpu.memory_space<hbm>> -> memref<80x128xf32, #tpu.memory_space<hbm>>
      %dma_start3A_68 = arith.constant 0 : i32
      %dma_start3A_69 = arith.constant 0 : i32
      %dma_start3A_70 = tpu.memref_slice %arg6[%dma_start3A_59, %dma_start3A_68, %dma_start3A_69] : memref<4x80x128xf32, #tpu.memory_space<vmem>> -> memref<1x80x128xf32, #tpu.memory_space<vmem>>
      %dma_start3A_71 = tpu.memref_squeeze %dma_start3A_70 : memref<1x80x128xf32, #tpu.memory_space<vmem>> -> memref<80x128xf32, #tpu.memory_space<vmem>>
      tpu.enqueue_dma source(%dma_start3A_71 : memref<80x128xf32, #tpu.memory_space<vmem>>) target(%dma_start3A_67 : memref<80x128xf32, #tpu.memory_space<hbm>>) target_semaphore(%arg8 : memref<!tpu.dma_semaphore, #tpu.memory_space<semaphore_mem>>)
      %dma_wait3A_72 = arith.constant 1 : i32
      %dma_wait3A_73 = arith.constant 0 : i32
      %dma_wait3A_74 = arith.constant 0 : i32
      %dma_wait3A_75 = tpu.memref_slice %arg6[%dma_wait3A_72, %dma_wait3A_73, %dma_wait3A_74] : memref<4x80x128xf32, #tpu.memory_space<vmem>> -> memref<1x80x128xf32, #tpu.memory_space<vmem>>
      %dma_wait3A_76 = tpu.memref_squeeze %dma_wait3A_75 : memref<1x80x128xf32, #tpu.memory_space<vmem>> -> memref<80x128xf32, #tpu.memory_space<vmem>>
      %dma_wait3A_77 = arith.constant 80 : i32
      %dma_wait3A_78 = tpu.memref_slice %arg5[%dma_wait3A_77] : memref<320xi32, #tpu.memory_space<vmem>> -> memref<80xi32, #tpu.memory_space<vmem>>
      %dma_wait3A_79 = arith.constant 0 : i32
      %dma_wait3A_80 = arith.constant 0 : i32
      %dma_wait3A_81 = tpu.memref_slice %arg2[%dma_wait3A_79, %dma_wait3A_80] : memref<10000x128xf32, #tpu.memory_space<hbm>> -> memref<10000x128xf32, #tpu.memory_space<hbm>>
      tpu.wait_indirect_dma semaphore(%arg7 : memref<!tpu.dma_semaphore, #tpu.memory_space<semaphore_mem>>) src(%dma_wait3A_81 : memref<10000x128xf32, #tpu.memory_space<hbm>>) dst(%dma_wait3A_76 : memref<80x128xf32, #tpu.memory_space<vmem>>)
      %add3A_82 = arith.constant 80 : i32
      %add3A_83 = arith.addi %mul3A_2, %add3A_82 : i32
      %dma_start3A_84 = arith.constant 1 : i32
      %dma_start3A_85 = arith.constant 0 : i32
      %dma_start3A_86 = arith.constant 0 : i32
      %dma_start3A_87 = tpu.memref_slice %arg6[%dma_start3A_84, %dma_start3A_85, %dma_start3A_86] : memref<4x80x128xf32, #tpu.memory_space<vmem>> -> memref<1x80x128xf32, #tpu.memory_space<vmem>>
      %dma_start3A_88 = tpu.memref_squeeze %dma_start3A_87 : memref<1x80x128xf32, #tpu.memory_space<vmem>> -> memref<80x128xf32, #tpu.memory_space<vmem>>
      %dma_start3A_89 = arith.constant 0 : i32
      %dma_start3A_90 = tpu.memref_slice %arg4[%add3A_83, %dma_start3A_89] : memref<10000x128xf32, #tpu.memory_space<hbm>> -> memref<80x128xf32, #tpu.memory_space<hbm>>
      %dma_start3A_91 = arith.constant 0 : i32
      %dma_start3A_92 = tpu.memref_slice %arg4[%add3A_83, %dma_start3A_91] : memref<10000x128xf32, #tpu.memory_space<hbm>> -> memref<80x128xf32, #tpu.memory_space<hbm>>
      %dma_start3A_93 = arith.constant 0 : i32
      %dma_start3A_94 = arith.constant 0 : i32
      %dma_start3A_95 = tpu.memref_slice %arg6[%dma_start3A_84, %dma_start3A_93, %dma_start3A_94] : memref<4x80x128xf32, #tpu.memory_space<vmem>> -> memref<1x80x128xf32, #tpu.memory_space<vmem>>
      %dma_start3A_96 = tpu.memref_squeeze %dma_start3A_95 : memref<1x80x128xf32, #tpu.memory_space<vmem>> -> memref<80x128xf32, #tpu.memory_space<vmem>>
      tpu.enqueue_dma source(%dma_start3A_96 : memref<80x128xf32, #tpu.memory_space<vmem>>) target(%dma_start3A_92 : memref<80x128xf32, #tpu.memory_space<hbm>>) target_semaphore(%arg8 : memref<!tpu.dma_semaphore, #tpu.memory_space<semaphore_mem>>)
      %dma_wait3A_97 = arith.constant 2 : i32
      %dma_wait3A_98 = arith.constant 0 : i32
      %dma_wait3A_99 = arith.constant 0 : i32
      %dma_wait3A_100 = tpu.memref_slice %arg6[%dma_wait3A_97, %dma_wait3A_98, %dma_wait3A_99] : memref<4x80x128xf32, #tpu.memory_space<vmem>> -> memref<1x80x128xf32, #tpu.memory_space<vmem>>
      %dma_wait3A_101 = tpu.memref_squeeze %dma_wait3A_100 : memref<1x80x128xf32, #tpu.memory_space<vmem>> -> memref<80x128xf32, #tpu.memory_space<vmem>>
      %dma_wait3A_102 = arith.constant 160 : i32
      %dma_wait3A_103 = tpu.memref_slice %arg5[%dma_wait3A_102] : memref<320xi32, #tpu.memory_space<vmem>> -> memref<80xi32, #tpu.memory_space<vmem>>
      %dma_wait3A_104 = arith.constant 0 : i32
      %dma_wait3A_105 = arith.constant 0 : i32
      %dma_wait3A_106 = tpu.memref_slice %arg2[%dma_wait3A_104, %dma_wait3A_105] : memref<10000x128xf32, #tpu.memory_space<hbm>> -> memref<10000x128xf32, #tpu.memory_space<hbm>>
      tpu.wait_indirect_dma semaphore(%arg7 : memref<!tpu.dma_semaphore, #tpu.memory_space<semaphore_mem>>) src(%dma_wait3A_106 : memref<10000x128xf32, #tpu.memory_space<hbm>>) dst(%dma_wait3A_101 : memref<80x128xf32, #tpu.memory_space<vmem>>)
      %add3A_107 = arith.constant 160 : i32
      %add3A_108 = arith.addi %mul3A_2, %add3A_107 : i32
      %dma_start3A_109 = arith.constant 2 : i32
      %dma_start3A_110 = arith.constant 0 : i32
      %dma_start3A_111 = arith.constant 0 : i32
      %dma_start3A_112 = tpu.memref_slice %arg6[%dma_start3A_109, %dma_start3A_110, %dma_start3A_111] : memref<4x80x128xf32, #tpu.memory_space<vmem>> -> memref<1x80x128xf32, #tpu.memory_space<vmem>>
      %dma_start3A_113 = tpu.memref_squeeze %dma_start3A_112 : memref<1x80x128xf32, #tpu.memory_space<vmem>> -> memref<80x128xf32, #tpu.memory_space<vmem>>
      %dma_start3A_114 = arith.constant 0 : i32
      %dma_start3A_115 = tpu.memref_slice %arg4[%add3A_108, %dma_start3A_114] : memref<10000x128xf32, #tpu.memory_space<hbm>> -> memref<80x128xf32, #tpu.memory_space<hbm>>
      %dma_start3A_116 = arith.constant 0 : i32
      %dma_start3A_117 = tpu.memref_slice %arg4[%add3A_108, %dma_start3A_116] : memref<10000x128xf32, #tpu.memory_space<hbm>> -> memref<80x128xf32, #tpu.memory_space<hbm>>
      %dma_start3A_118 = arith.constant 0 : i32
      %dma_start3A_119 = arith.constant 0 : i32
      %dma_start3A_120 = tpu.memref_slice %arg6[%dma_start3A_109, %dma_start3A_118, %dma_start3A_119] : memref<4x80x128xf32, #tpu.memory_space<vmem>> -> memref<1x80x128xf32, #tpu.memory_space<vmem>>
      %dma_start3A_121 = tpu.memref_squeeze %dma_start3A_120 : memref<1x80x128xf32, #tpu.memory_space<vmem>> -> memref<80x128xf32, #tpu.memory_space<vmem>>
      tpu.enqueue_dma source(%dma_start3A_121 : memref<80x128xf32, #tpu.memory_space<vmem>>) target(%dma_start3A_117 : memref<80x128xf32, #tpu.memory_space<hbm>>) target_semaphore(%arg8 : memref<!tpu.dma_semaphore, #tpu.memory_space<semaphore_mem>>)
      %dma_wait3A_122 = arith.constant 3 : i32
      %dma_wait3A_123 = arith.constant 0 : i32
      %dma_wait3A_124 = arith.constant 0 : i32
      %dma_wait3A_125 = tpu.memref_slice %arg6[%dma_wait3A_122, %dma_wait3A_123, %dma_wait3A_124] : memref<4x80x128xf32, #tpu.memory_space<vmem>> -> memref<1x80x128xf32, #tpu.memory_space<vmem>>
      %dma_wait3A_126 = tpu.memref_squeeze %dma_wait3A_125 : memref<1x80x128xf32, #tpu.memory_space<vmem>> -> memref<80x128xf32, #tpu.memory_space<vmem>>
      %dma_wait3A_127 = arith.constant 240 : i32
      %dma_wait3A_128 = tpu.memref_slice %arg5[%dma_wait3A_127] : memref<320xi32, #tpu.memory_space<vmem>> -> memref<80xi32, #tpu.memory_space<vmem>>
      %dma_wait3A_129 = arith.constant 0 : i32
      %dma_wait3A_130 = arith.constant 0 : i32
      %dma_wait3A_131 = tpu.memref_slice %arg2[%dma_wait3A_129, %dma_wait3A_130] : memref<10000x128xf32, #tpu.memory_space<hbm>> -> memref<10000x128xf32, #tpu.memory_space<hbm>>
      tpu.wait_indirect_dma semaphore(%arg7 : memref<!tpu.dma_semaphore, #tpu.memory_space<semaphore_mem>>) src(%dma_wait3A_131 : memref<10000x128xf32, #tpu.memory_space<hbm>>) dst(%dma_wait3A_126 : memref<80x128xf32, #tpu.memory_space<vmem>>)
      %add3A_132 = arith.constant 240 : i32
      %add3A_133 = arith.addi %mul3A_2, %add3A_132 : i32
      %dma_start3A_134 = arith.constant 3 : i32
      %dma_start3A_135 = arith.constant 0 : i32
      %dma_start3A_136 = arith.constant 0 : i32
      %dma_start3A_137 = tpu.memref_slice %arg6[%dma_start3A_134, %dma_start3A_135, %dma_start3A_136] : memref<4x80x128xf32, #tpu.memory_space<vmem>> -> memref<1x80x128xf32, #tpu.memory_space<vmem>>
      %dma_start3A_138 = tpu.memref_squeeze %dma_start3A_137 : memref<1x80x128xf32, #tpu.memory_space<vmem>> -> memref<80x128xf32, #tpu.memory_space<vmem>>
      %dma_start3A_139 = arith.constant 0 : i32
      %dma_start3A_140 = tpu.memref_slice %arg4[%add3A_133, %dma_start3A_139] : memref<10000x128xf32, #tpu.memory_space<hbm>> -> memref<80x128xf32, #tpu.memory_space<hbm>>
      %dma_start3A_141 = arith.constant 0 : i32
      %dma_start3A_142 = tpu.memref_slice %arg4[%add3A_133, %dma_start3A_141] : memref<10000x128xf32, #tpu.memory_space<hbm>> -> memref<80x128xf32, #tpu.memory_space<hbm>>
      %dma_start3A_143 = arith.constant 0 : i32
      %dma_start3A_144 = arith.constant 0 : i32
      %dma_start3A_145 = tpu.memref_slice %arg6[%dma_start3A_134, %dma_start3A_143, %dma_start3A_144] : memref<4x80x128xf32, #tpu.memory_space<vmem>> -> memref<1x80x128xf32, #tpu.memory_space<vmem>>
      %dma_start3A_146 = tpu.memref_squeeze %dma_start3A_145 : memref<1x80x128xf32, #tpu.memory_space<vmem>> -> memref<80x128xf32, #tpu.memory_space<vmem>>
      tpu.enqueue_dma source(%dma_start3A_146 : memref<80x128xf32, #tpu.memory_space<vmem>>) target(%dma_start3A_142 : memref<80x128xf32, #tpu.memory_space<hbm>>) target_semaphore(%arg8 : memref<!tpu.dma_semaphore, #tpu.memory_space<semaphore_mem>>)
      %dma_wait3A_147 = arith.constant 0 : i32
      %dma_wait3A_148 = arith.constant 0 : i32
      %dma_wait3A_149 = arith.constant 0 : i32
      %dma_wait3A_150 = tpu.memref_slice %arg6[%dma_wait3A_147, %dma_wait3A_148, %dma_wait3A_149] : memref<4x80x128xf32, #tpu.memory_space<vmem>> -> memref<1x80x128xf32, #tpu.memory_space<vmem>>
      %dma_wait3A_151 = tpu.memref_squeeze %dma_wait3A_150 : memref<1x80x128xf32, #tpu.memory_space<vmem>> -> memref<80x128xf32, #tpu.memory_space<vmem>>
      %dma_wait3A_152 = arith.constant 0 : i32
      %dma_wait3A_153 = tpu.memref_slice %arg4[%add3A_58, %dma_wait3A_152] : memref<10000x128xf32, #tpu.memory_space<hbm>> -> memref<80x128xf32, #tpu.memory_space<hbm>>
      %dma_wait3A_154 = arith.constant 0 : i32
      %dma_wait3A_155 = tpu.memref_slice %arg4[%add3A_58, %dma_wait3A_154] : memref<10000x128xf32, #tpu.memory_space<hbm>> -> memref<80x128xf32, #tpu.memory_space<hbm>>
      %dma_wait3A_156 = arith.constant 0 : i32
      %dma_wait3A_157 = arith.constant 0 : i32
      %dma_wait3A_158 = tpu.memref_slice %arg6[%dma_wait3A_147, %dma_wait3A_156, %dma_wait3A_157] : memref<4x80x128xf32, #tpu.memory_space<vmem>> -> memref<1x80x128xf32, #tpu.memory_space<vmem>>
      %dma_wait3A_159 = tpu.memref_squeeze %dma_wait3A_158 : memref<1x80x128xf32, #tpu.memory_space<vmem>> -> memref<80x128xf32, #tpu.memory_space<vmem>>
      tpu.wait_dma2 semaphore(%arg8 : memref<!tpu.dma_semaphore, #tpu.memory_space<semaphore_mem>>) src(%dma_wait3A_159 : memref<80x128xf32, #tpu.memory_space<vmem>>) dst(%dma_wait3A_155 : memref<80x128xf32, #tpu.memory_space<hbm>>)
      %dma_wait3A_160 = arith.constant 1 : i32
      %dma_wait3A_161 = arith.constant 0 : i32
      %dma_wait3A_162 = arith.constant 0 : i32
      %dma_wait3A_163 = tpu.memref_slice %arg6[%dma_wait3A_160, %dma_wait3A_161, %dma_wait3A_162] : memref<4x80x128xf32, #tpu.memory_space<vmem>> -> memref<1x80x128xf32, #tpu.memory_space<vmem>>
      %dma_wait3A_164 = tpu.memref_squeeze %dma_wait3A_163 : memref<1x80x128xf32, #tpu.memory_space<vmem>> -> memref<80x128xf32, #tpu.memory_space<vmem>>
      %dma_wait3A_165 = arith.constant 0 : i32
      %dma_wait3A_166 = tpu.memref_slice %arg4[%add3A_83, %dma_wait3A_165] : memref<10000x128xf32, #tpu.memory_space<hbm>> -> memref<80x128xf32, #tpu.memory_space<hbm>>
      %dma_wait3A_167 = arith.constant 0 : i32
      %dma_wait3A_168 = tpu.memref_slice %arg4[%add3A_83, %dma_wait3A_167] : memref<10000x128xf32, #tpu.memory_space<hbm>> -> memref<80x128xf32, #tpu.memory_space<hbm>>
      %dma_wait3A_169 = arith.constant 0 : i32
      %dma_wait3A_170 = arith.constant 0 : i32
      %dma_wait3A_171 = tpu.memref_slice %arg6[%dma_wait3A_160, %dma_wait3A_169, %dma_wait3A_170] : memref<4x80x128xf32, #tpu.memory_space<vmem>> -> memref<1x80x128xf32, #tpu.memory_space<vmem>>
      %dma_wait3A_172 = tpu.memref_squeeze %dma_wait3A_171 : memref<1x80x128xf32, #tpu.memory_space<vmem>> -> memref<80x128xf32, #tpu.memory_space<vmem>>
      tpu.wait_dma2 semaphore(%arg8 : memref<!tpu.dma_semaphore, #tpu.memory_space<semaphore_mem>>) src(%dma_wait3A_172 : memref<80x128xf32, #tpu.memory_space<vmem>>) dst(%dma_wait3A_168 : memref<80x128xf32, #tpu.memory_space<hbm>>)
      %dma_wait3A_173 = arith.constant 2 : i32
      %dma_wait3A_174 = arith.constant 0 : i32
      %dma_wait3A_175 = arith.constant 0 : i32
      %dma_wait3A_176 = tpu.memref_slice %arg6[%dma_wait3A_173, %dma_wait3A_174, %dma_wait3A_175] : memref<4x80x128xf32, #tpu.memory_space<vmem>> -> memref<1x80x128xf32, #tpu.memory_space<vmem>>
      %dma_wait3A_177 = tpu.memref_squeeze %dma_wait3A_176 : memref<1x80x128xf32, #tpu.memory_space<vmem>> -> memref<80x128xf32, #tpu.memory_space<vmem>>
      %dma_wait3A_178 = arith.constant 0 : i32
      %dma_wait3A_179 = tpu.memref_slice %arg4[%add3A_108, %dma_wait3A_178] : memref<10000x128xf32, #tpu.memory_space<hbm>> -> memref<80x128xf32, #tpu.memory_space<hbm>>
      %dma_wait3A_180 = arith.constant 0 : i32
      %dma_wait3A_181 = tpu.memref_slice %arg4[%add3A_108, %dma_wait3A_180] : memref<10000x128xf32, #tpu.memory_space<hbm>> -> memref<80x128xf32, #tpu.memory_space<hbm>>
      %dma_wait3A_182 = arith.constant 0 : i32
      %dma_wait3A_183 = arith.constant 0 : i32
      %dma_wait3A_184 = tpu.memref_slice %arg6[%dma_wait3A_173, %dma_wait3A_182, %dma_wait3A_183] : memref<4x80x128xf32, #tpu.memory_space<vmem>> -> memref<1x80x128xf32, #tpu.memory_space<vmem>>
      %dma_wait3A_185 = tpu.memref_squeeze %dma_wait3A_184 : memref<1x80x128xf32, #tpu.memory_space<vmem>> -> memref<80x128xf32, #tpu.memory_space<vmem>>
      tpu.wait_dma2 semaphore(%arg8 : memref<!tpu.dma_semaphore, #tpu.memory_space<semaphore_mem>>) src(%dma_wait3A_185 : memref<80x128xf32, #tpu.memory_space<vmem>>) dst(%dma_wait3A_181 : memref<80x128xf32, #tpu.memory_space<hbm>>)
      %dma_wait3A_186 = arith.constant 3 : i32
      %dma_wait3A_187 = arith.constant 0 : i32
      %dma_wait3A_188 = arith.constant 0 : i32
      %dma_wait3A_189 = tpu.memref_slice %arg6[%dma_wait3A_186, %dma_wait3A_187, %dma_wait3A_188] : memref<4x80x128xf32, #tpu.memory_space<vmem>> -> memref<1x80x128xf32, #tpu.memory_space<vmem>>
      %dma_wait3A_190 = tpu.memref_squeeze %dma_wait3A_189 : memref<1x80x128xf32, #tpu.memory_space<vmem>> -> memref<80x128xf32, #tpu.memory_space<vmem>>
      %dma_wait3A_191 = arith.constant 0 : i32
      %dma_wait3A_192 = tpu.memref_slice %arg4[%add3A_133, %dma_wait3A_191] : memref<10000x128xf32, #tpu.memory_space<hbm>> -> memref<80x128xf32, #tpu.memory_space<hbm>>
      %dma_wait3A_193 = arith.constant 0 : i32
      %dma_wait3A_194 = tpu.memref_slice %arg4[%add3A_133, %dma_wait3A_193] : memref<10000x128xf32, #tpu.memory_space<hbm>> -> memref<80x128xf32, #tpu.memory_space<hbm>>
      %dma_wait3A_195 = arith.constant 0 : i32
      %dma_wait3A_196 = arith.constant 0 : i32
      %dma_wait3A_197 = tpu.memref_slice %arg6[%dma_wait3A_186, %dma_wait3A_195, %dma_wait3A_196] : memref<4x80x128xf32, #tpu.memory_space<vmem>> -> memref<1x80x128xf32, #tpu.memory_space<vmem>>
      %dma_wait3A_198 = tpu.memref_squeeze %dma_wait3A_197 : memref<1x80x128xf32, #tpu.memory_space<vmem>> -> memref<80x128xf32, #tpu.memory_space<vmem>>
      tpu.wait_dma2 semaphore(%arg8 : memref<!tpu.dma_semaphore, #tpu.memory_space<semaphore_mem>>) src(%dma_wait3A_198 : memref<80x128xf32, #tpu.memory_space<vmem>>) dst(%dma_wait3A_194 : memref<80x128xf32, #tpu.memory_space<hbm>>)
    } else {
    }
    %eq3A = arith.constant 31 : i32
    %eq3A_5 = arith.cmpi eq, %add3A, %eq3A : i32
    %convert_element_type3A_6 = arith.extui %eq3A_5 : i1 to i32
    %cond3A_7 = arith.constant 0 : i32
    %cond3A_8 = arith.cmpi ne, %convert_element_type3A_6, %cond3A_7 : i32
    scf.if %cond3A_8 {
      %add3A_9 = arith.constant 0 : i32
      %add3A_10 = arith.addi %mul3A_2, %add3A_9 : i32
      "tpu.region"() ({
        %run_scoped3A_31 = tpu.sem_alloc : memref<!tpu.dma_semaphore, #tpu.memory_space<semaphore_mem>>
        %dma_start3A_32 = arith.constant 0 : i32
        %dma_start3A_33 = tpu.memref_slice %arg5[%dma_start3A_32] : memref<320xi32, #tpu.memory_space<vmem>> -> memref<80xi32, #tpu.memory_space<vmem>>
        %dma_start3A_34 = tpu.memref_slice %arg3[%add3A_10] : memref<10000xi32, #tpu.memory_space<hbm>> -> memref<80xi32, #tpu.memory_space<hbm>>
        %dma_start3A_35 = arith.constant 0 : i32
        %dma_start3A_36 = tpu.memref_slice %arg5[%dma_start3A_35] : memref<320xi32, #tpu.memory_space<vmem>> -> memref<80xi32, #tpu.memory_space<vmem>>
        %dma_start3A_37 = tpu.memref_slice %arg3[%add3A_10] : memref<10000xi32, #tpu.memory_space<hbm>> -> memref<80xi32, #tpu.memory_space<hbm>>
        tpu.enqueue_dma source(%dma_start3A_37 : memref<80xi32, #tpu.memory_space<hbm>>) target(%dma_start3A_36 : memref<80xi32, #tpu.memory_space<vmem>>) target_semaphore(%run_scoped3A_31 : memref<!tpu.dma_semaphore, #tpu.memory_space<semaphore_mem>>)
        %dma_wait3A_38 = arith.constant 0 : i32
        %dma_wait3A_39 = tpu.memref_slice %arg5[%dma_wait3A_38] : memref<320xi32, #tpu.memory_space<vmem>> -> memref<80xi32, #tpu.memory_space<vmem>>
        %dma_wait3A_40 = tpu.memref_slice %arg3[%add3A_10] : memref<10000xi32, #tpu.memory_space<hbm>> -> memref<80xi32, #tpu.memory_space<hbm>>
        %dma_wait3A_41 = arith.constant 0 : i32
        %dma_wait3A_42 = tpu.memref_slice %arg5[%dma_wait3A_41] : memref<320xi32, #tpu.memory_space<vmem>> -> memref<80xi32, #tpu.memory_space<vmem>>
        %dma_wait3A_43 = tpu.memref_slice %arg3[%add3A_10] : memref<10000xi32, #tpu.memory_space<hbm>> -> memref<80xi32, #tpu.memory_space<hbm>>
        tpu.wait_dma2 semaphore(%run_scoped3A_31 : memref<!tpu.dma_semaphore, #tpu.memory_space<semaphore_mem>>) src(%dma_wait3A_43 : memref<80xi32, #tpu.memory_space<hbm>>) dst(%dma_wait3A_42 : memref<80xi32, #tpu.memory_space<vmem>>)
        tpu.yield
      }) : () -> ()
      %dma_start3A = arith.constant 0 : i32
      %dma_start3A_11 = arith.constant 0 : i32
      %dma_start3A_12 = arith.constant 0 : i32
      %dma_start3A_13 = tpu.memref_slice %arg6[%dma_start3A, %dma_start3A_11, %dma_start3A_12] : memref<4x80x128xf32, #tpu.memory_space<vmem>> -> memref<1x80x128xf32, #tpu.memory_space<vmem>>
      %dma_start3A_14 = tpu.memref_squeeze %dma_start3A_13 : memref<1x80x128xf32, #tpu.memory_space<vmem>> -> memref<80x128xf32, #tpu.memory_space<vmem>>
      %dma_start3A_15 = arith.constant 0 : i32
      %dma_start3A_16 = tpu.memref_slice %arg5[%dma_start3A_15] : memref<320xi32, #tpu.memory_space<vmem>> -> memref<80xi32, #tpu.memory_space<vmem>>
      %dma_start3A_17 = arith.constant 0 : i32
      %dma_start3A_18 = arith.constant 0 : i32
      %dma_start3A_19 = tpu.memref_slice %arg2[%dma_start3A_17, %dma_start3A_18] : memref<10000x128xf32, #tpu.memory_space<hbm>> -> memref<10000x128xf32, #tpu.memory_space<hbm>>
      tpu.enqueue_indirect_dma source(%dma_start3A_19 : memref<10000x128xf32, #tpu.memory_space<hbm>>) target(%dma_start3A_14 : memref<80x128xf32, #tpu.memory_space<vmem>>) offsets(%dma_start3A_16 : memref<80xi32, #tpu.memory_space<vmem>>) semaphore(%arg7 : memref<!tpu.dma_semaphore, #tpu.memory_space<semaphore_mem>>)
      %dma_wait3A = arith.constant 0 : i32
      %dma_wait3A_20 = arith.constant 0 : i32
      %dma_wait3A_21 = arith.constant 0 : i32
      %dma_wait3A_22 = tpu.memref_slice %arg6[%dma_wait3A, %dma_wait3A_20, %dma_wait3A_21] : memref<4x80x128xf32, #tpu.memory_space<vmem>> -> memref<1x80x128xf32, #tpu.memory_space<vmem>>
      %dma_wait3A_23 = tpu.memref_squeeze %dma_wait3A_22 : memref<1x80x128xf32, #tpu.memory_space<vmem>> -> memref<80x128xf32, #tpu.memory_space<vmem>>
      %dma_wait3A_24 = arith.constant 0 : i32
      %dma_wait3A_25 = tpu.memref_slice %arg5[%dma_wait3A_24] : memref<320xi32, #tpu.memory_space<vmem>> -> memref<80xi32, #tpu.memory_space<vmem>>
      %dma_wait3A_26 = arith.constant 0 : i32
      %dma_wait3A_27 = arith.constant 0 : i32
      %dma_wait3A_28 = tpu.memref_slice %arg2[%dma_wait3A_26, %dma_wait3A_27] : memref<10000x128xf32, #tpu.memory_space<hbm>> -> memref<10000x128xf32, #tpu.memory_space<hbm>>
      tpu.wait_indirect_dma semaphore(%arg7 : memref<!tpu.dma_semaphore, #tpu.memory_space<semaphore_mem>>) src(%dma_wait3A_28 : memref<10000x128xf32, #tpu.memory_space<hbm>>) dst(%dma_wait3A_23 : memref<80x128xf32, #tpu.memory_space<vmem>>)
      %add3A_29 = arith.constant 0 : i32
      %add3A_30 = arith.addi %mul3A_2, %add3A_29 : i32
      %run_scoped3A = arith.constant 0 : i32
      "tpu.region"() ({
        %run_scoped3A_31 = tpu.sem_alloc : memref<!tpu.dma_semaphore, #tpu.memory_space<semaphore_mem>>
        %dma_start3A_32 = arith.constant 0 : i32
        %dma_start3A_33 = arith.constant 0 : i32
        %dma_start3A_34 = tpu.memref_slice %arg6[%run_scoped3A, %dma_start3A_32, %dma_start3A_33] : memref<4x80x128xf32, #tpu.memory_space<vmem>> -> memref<1x80x128xf32, #tpu.memory_space<vmem>>
        %dma_start3A_35 = tpu.memref_squeeze %dma_start3A_34 : memref<1x80x128xf32, #tpu.memory_space<vmem>> -> memref<80x128xf32, #tpu.memory_space<vmem>>
        %dma_start3A_36 = arith.constant 0 : i32
        %dma_start3A_37 = tpu.memref_slice %arg4[%add3A_30, %dma_start3A_36] : memref<10000x128xf32, #tpu.memory_space<hbm>> -> memref<80x128xf32, #tpu.memory_space<hbm>>
        %dma_start3A_38 = arith.constant 0 : i32
        %dma_start3A_39 = tpu.memref_slice %arg4[%add3A_30, %dma_start3A_38] : memref<10000x128xf32, #tpu.memory_space<hbm>> -> memref<80x128xf32, #tpu.memory_space<hbm>>
        %dma_start3A_40 = arith.constant 0 : i32
        %dma_start3A_41 = arith.constant 0 : i32
        %dma_start3A_42 = tpu.memref_slice %arg6[%run_scoped3A, %dma_start3A_40, %dma_start3A_41] : memref<4x80x128xf32, #tpu.memory_space<vmem>> -> memref<1x80x128xf32, #tpu.memory_space<vmem>>
        %dma_start3A_43 = tpu.memref_squeeze %dma_start3A_42 : memref<1x80x128xf32, #tpu.memory_space<vmem>> -> memref<80x128xf32, #tpu.memory_space<vmem>>
        tpu.enqueue_dma source(%dma_start3A_43 : memref<80x128xf32, #tpu.memory_space<vmem>>) target(%dma_start3A_39 : memref<80x128xf32, #tpu.memory_space<hbm>>) target_semaphore(%run_scoped3A_31 : memref<!tpu.dma_semaphore, #tpu.memory_space<semaphore_mem>>)
        %dma_wait3A_44 = arith.constant 0 : i32
        %dma_wait3A_45 = arith.constant 0 : i32
        %dma_wait3A_46 = tpu.memref_slice %arg6[%run_scoped3A, %dma_wait3A_44, %dma_wait3A_45] : memref<4x80x128xf32, #tpu.memory_space<vmem>> -> memref<1x80x128xf32, #tpu.memory_space<vmem>>
        %dma_wait3A_47 = tpu.memref_squeeze %dma_wait3A_46 : memref<1x80x128xf32, #tpu.memory_space<vmem>> -> memref<80x128xf32, #tpu.memory_space<vmem>>
        %dma_wait3A_48 = arith.constant 0 : i32
        %dma_wait3A_49 = tpu.memref_slice %arg4[%add3A_30, %dma_wait3A_48] : memref<10000x128xf32, #tpu.memory_space<hbm>> -> memref<80x128xf32, #tpu.memory_space<hbm>>
        %dma_wait3A_50 = arith.constant 0 : i32
        %dma_wait3A_51 = tpu.memref_slice %arg4[%add3A_30, %dma_wait3A_50] : memref<10000x128xf32, #tpu.memory_space<hbm>> -> memref<80x128xf32, #tpu.memory_space<hbm>>
        %dma_wait3A_52 = arith.constant 0 : i32
        %dma_wait3A_53 = arith.constant 0 : i32
        %dma_wait3A_54 = tpu.memref_slice %arg6[%run_scoped3A, %dma_wait3A_52, %dma_wait3A_53] : memref<4x80x128xf32, #tpu.memory_space<vmem>> -> memref<1x80x128xf32, #tpu.memory_space<vmem>>
        %dma_wait3A_55 = tpu.memref_squeeze %dma_wait3A_54 : memref<1x80x128xf32, #tpu.memory_space<vmem>> -> memref<80x128xf32, #tpu.memory_space<vmem>>
        tpu.wait_dma2 semaphore(%run_scoped3A_31 : memref<!tpu.dma_semaphore, #tpu.memory_space<semaphore_mem>>) src(%dma_wait3A_55 : memref<80x128xf32, #tpu.memory_space<vmem>>) dst(%dma_wait3A_51 : memref<80x128xf32, #tpu.memory_space<hbm>>)
        tpu.yield
      }) : () -> ()
    } else {
    }
    return
  }
}

module attributes {stable_mosaic.version = 14 : i64} {
  func.func @_mm_body(%arg0: i32, %arg1: memref<400x10000xf32, #tpu.memory_space<vmem>>, %arg2: memref<10000x128xf32, #tpu.memory_space<vmem>>, %arg3: memref<128x128xf32, #tpu.memory_space<vmem>>, %arg4: memref<400x128xf32, #tpu.memory_space<vmem>>) attributes {dimension_semantics = [#tpu.dimension_semantics<arbitrary>], iteration_bounds = array<i64: 25>, scalar_prefetch = 0 : i64, scratch_operands = 0 : i64, tpu.core_type = #tpu.core_type<tc>, window_params = [{transform_indices = @transform_0, window_bounds = array<i64: 400, 10000>}, {pipeline_mode = #tpu.pipeline_mode<synchronous>, transform_indices = @transform_1, window_bounds = array<i64: 10000, 128>}, {pipeline_mode = #tpu.pipeline_mode<synchronous>, transform_indices = @transform_2, window_bounds = array<i64: 128, 128>}, {transform_indices = @transform_3, window_bounds = array<i64: 400, 128>}]} {
    %get3A = arith.constant 0 : index
    %get3A_0 = arith.constant 0 : index
    %get3A_1 = vector.load %arg1[%get3A, %get3A_0] : memref<400x10000xf32, #tpu.memory_space<vmem>>, vector<400x10000xf32>
    %get3A_2 = arith.constant 0 : index
    %get3A_3 = arith.constant 0 : index
    %get3A_4 = vector.load %arg2[%get3A_2, %get3A_3] : memref<10000x128xf32, #tpu.memory_space<vmem>>, vector<10000x128xf32>
    %dot_general3A = arith.constant dense<0.000000e+00> : vector<400x128xf32>
    %dot_general3A_5 = tpu.matmul %get3A_1, %get3A_4, %dot_general3A {dimension_numbers = #tpu.dot_dimension_numbers<[1], [0], [0], [1], [0, 0, 1, 1], [], []>, transpose_lhs_hint = false} : vector<400x10000xf32>, vector<10000x128xf32>, vector<400x128xf32> -> vector<400x128xf32>
    %get3A_6 = arith.constant 0 : index
    %get3A_7 = arith.constant 0 : index
    %get3A_8 = vector.load %arg3[%get3A_6, %get3A_7] : memref<128x128xf32, #tpu.memory_space<vmem>>, vector<128x128xf32>
    %dot_general3A_9 = arith.constant dense<0.000000e+00> : vector<400x128xf32>
    %dot_general3A_10 = tpu.matmul %dot_general3A_5, %get3A_8, %dot_general3A_9 {dimension_numbers = #tpu.dot_dimension_numbers<[1], [0], [0], [1], [0, 0, 1, 1], [], []>, transpose_lhs_hint = false} : vector<400x128xf32>, vector<128x128xf32>, vector<400x128xf32> -> vector<400x128xf32>
    %swap3A = arith.constant 0 : index
    %swap3A_11 = arith.constant 0 : index
    %swap3A_12 = vector.load %arg4[%swap3A, %swap3A_11] : memref<400x128xf32, #tpu.memory_space<vmem>>, vector<400x128xf32>
    tpu.vector_store %arg4[%swap3A, %swap3A_11], %dot_general3A_10 {strides = array<i32>} : memref<400x128xf32, #tpu.memory_space<vmem>>, vector<400x128xf32>,
    return
  }
  func.func @transform_0(%arg0: i32) -> (i32, i32) {
    %c0_i32 = arith.constant 0 : i32
    %c0_i32_0 = arith.constant 0 : i32
    return %arg0, %c0_i32 : i32, i32
  }
  func.func @transform_1(%arg0: i32) -> (i32, i32) {
    %c0_i32 = arith.constant 0 : i32
    %c0_i32_0 = arith.constant 0 : i32
    %c0_i32_1 = arith.constant 0 : i32
    return %c0_i32, %c0_i32_0 : i32, i32
  }
  func.func @transform_2(%arg0: i32) -> (i32, i32) {
    %c0_i32 = arith.constant 0 : i32
    %c0_i32_0 = arith.constant 0 : i32
    %c0_i32_1 = arith.constant 0 : i32
    return %c0_i32, %c0_i32_0 : i32, i32
  }
  func.func @transform_3(%arg0: i32) -> (i32, i32) {
    %c0_i32 = arith.constant 0 : i32
    %c0_i32_0 = arith.constant 0 : i32
    return %arg0, %c0_i32 : i32, i32
  }
}

</mosaic_0001>

<sc_bundles>
// kernel: kernel.4.cloned.1.call-start
scs
__scs_entry_jumppad:
0x0: {  	(pc) =	sbr.rel $0x88, $3  }
0x1: {  	(tag) =	ssettag $0x0;
	lr =	simm.s32 $0x1  }
0x2: {  	[smem:$0x3F9D] =	sst lr;
	_ =	strace $0xD0000000  }
0x3: {  	_ = 	snop  }
0x4: {  	_ = 	snop  }
0x5: {  	_ = 	snop  }
0x6: {  	_ = 	snop  }
0x7: {  	_ = 	snop  }
__scs_overlays_trampoline_lowered:
0x8: {  	[smem:$0x3FAC] =	sst s0  }
0x9: {  	[smem:$0x3FAD] =	sst s1  }
0xa: {  	[smem:$0x3FAE] =	sst s2  }
0xb: {  	[smem:$0x3FAF] =	sst s3  }
0xc: {  	[smem:$0x3FB0] =	sst s4  }
0xd: {  	[smem:$0x3FB1] =	sst s5  }
0xe: {  	[smem:$0x3FB2] =	sst s6  }
0xf: {  	[smem:$0x3FB3] =	sst s7  }
0x10: {  	[smem:$0x3FB4] =	sst s8  }
0x11: {  	[smem:$0x3FB5] =	sst s9;
	s0 =	simm.s32 @!p0 $0x0  }
0x12: {  	s1 =	sld [smem:$0x3F9B];
	s0 =	simm.s32 @p0 $0x1  }
0x13: {  	[smem:$0x3FB6] =	sst s0;
	s0 =	simm.s32 @!p1 $0x0  }
0x14: {  	s2 =	sld [smem:$0x3F9A];
	s0 =	simm.s32 @p1 $0x1  }
0x15: {  	[smem:$0x3FB7] =	sst s0;
	s0 =	simm.s32 @!p2 $0x0  }
0x16: {  	s3 =	sld [smem:$0x3FDB];
	s0 =	simm.s32 @p2 $0x1  }
0x17: {  	s4 =	simm.s32 $0x1BF5;
	[smem:$0x3FB9] =	sst s0  }
0x18: {  	s0 =	sld [smem:$0x3F9C];
	_ =	swait.ge [sflag:s4], $0x0  }
0x19: {  	s7 =	sld [smem:$0x3F9D]  }
0x1a: {  	s8 =	sadd.s32 $0xFFFFE003, lr  }
0x1b: {  	s9 =	sadd.s32 $0xFFFFFEF7, lr;
	s5 =	simm.s32 $0xFFFFFFFF;
	p2 =	slt.u32 s8, $0xFFFFF086  }
0x1c: {  	p1 =	slt.u32 s9, $0xF7A;
	s5 =	simm.s32 @!p2 $0x0  }
0x1d: {  	s5 =	simm.s32 @p1 $0x1;
	p0 =	seq.s32 s7, s2  }
0x1e: {  	s7 =	smul.u32 @!p0 $0xF7A, s2;
	p2 =	seq.s32 @!p0 s5, $0x0  }
0x1f: {  	s9 =	smul.u32 $0xF7A, s1;
	s8 =	simm.s32 @!p0 $0x1BF5;
	p2 =	por !p2, p0  }
0x20: {  	[sflag:s8] =	ssyncset.s32 @!p0 $0xFFFFF086;
	s6 =	sadd.s32 @!p0 s3, s7;
	s7 =	simm.s32 @!p0 $0x108  }
0x21: {  	s3 =	sadd.s32 s3, s9;
	s6 =	sadd.s32 @!p0 $0x88, s6;
	s7 =	simm.s32 @p2 $0x1082  }
0x22: {  	[simem:s7], [sflag:s8] =	dma.local @!p0 [hbm:s6], $0xF7A  }
0x23: {  	s9 =	sor.u32 $0xD0000000, s2;
	s6 =	simm.s32 $0x108;
	_ =	swait.ge @!p0 [sflag:s8], $0x0  }
0x24: {  	s3 =	sadd.s32 $0x88, s3;
	s6 =	simm.s32 @!p1 $0x1082;
	[sflag:s4] =	ssyncset.s32 $0xFFFFF086  }
0x25: {  	[simem:s6], [sflag:s4] =	dma.local [hbm:s3], $0xF7A  }
0x26: {  	[smem:$0x3F9D] =	sst s1;
	(tag) =	ssettag s2;
	_ =	strace s9  }
0x27: {  	s1 =	sld [smem:$0x3FAD]  }
0x28: {  	s2 =	sld [smem:$0x3FAE]  }
0x29: {  	s4 =	sld [smem:$0x3FB0]  }
0x2a: {  	p0 =	seq.s32 s5, $0x0;
	s5 =	sld [smem:$0x3FB1]  }
0x2b: {  	s6 =	sld [smem:$0x3FB2]  }
0x2c: {  	s7 =	sld [smem:$0x3FB3]  }
0x2d: {  	s3 =	simm.s32 $0x108;
	s8 =	sld [smem:$0x3FB4]  }
0x2e: {  	s3 =	simm.s32 @!p0 $0x1082;
	s9 =	sld [smem:$0x3FB5]  }
0x2f: {  	lr =	sadd.s32 s0, s3;
	s0 =	sld [smem:$0x3FAC]  }
0x30: {  	s3 =	sld [smem:$0x3FAF]  }
0x31: {  	[smem:$0x3FB8] =	sst s10  }
0x32: {  	s10 =	sld [smem:$0x3FB6];
	_ =	sdelay $0x3  }
0x33: {  	p0 =	seq.s32 s10, $0x1;
	s10 =	sld [smem:$0x3FB8];
	_ =	sdelay $0x3  }
0x34: {  	[smem:$0x3FB8] =	sst s10  }
0x35: {  	s10 =	sld [smem:$0x3FB7];
	_ =	sdelay $0x3  }
0x36: {  	p1 =	seq.s32 s10, $0x1;
	s10 =	sld [smem:$0x3FB8];
	_ =	sdelay $0x3  }
0x37: {  	[smem:$0x3FB8] =	sst s10  }
0x38: {  	s10 =	sld [smem:$0x3FB9]  }
0x39: {  	_ = 	snop;
	(pc) =	sbr.ind lr, $3  }
0x3a: {  	_ = 	snop  }
0x3b: {  	_ = 	snop  }
0x3c: {  	p2 =	seq.s32 s10, $0x1;
	s10 =	sld [smem:$0x3FB8]  }
0x3d: {  	_ =	shalt  }
0x3e: {  	_ =	shalt  }
0x3f: {  	_ =	shalt  }
0x40: {  	_ =	shalt  }
0x41: {  	_ =	shalt  }
0x42: {  	_ =	shalt  }
0x43: {  	_ =	shalt  }
0x44: {  	_ =	shalt  }
0x45: {  	_ =	shalt  }
0x46: {  	_ =	shalt  }
0x47: {  	_ =	shalt  }
0x48: {  	_ =	shalt  }
0x49: {  	_ =	shalt  }
0x4a: {  	_ =	shalt  }
0x4b: {  	_ =	shalt  }
0x4c: {  	_ =	shalt  }
0x4d: {  	_ =	shalt  }
0x4e: {  	_ =	shalt  }
0x4f: {  	_ =	shalt  }
0x50: {  	_ =	shalt  }
0x51: {  	_ =	shalt  }
0x52: {  	_ =	shalt  }
0x53: {  	_ =	shalt  }
0x54: {  	_ =	shalt  }
0x55: {  	_ =	shalt  }
0x56: {  	_ =	shalt  }
0x57: {  	_ =	shalt  }
0x58: {  	_ =	shalt  }
0x59: {  	_ =	shalt  }
0x5a: {  	_ =	shalt  }
0x5b: {  	_ =	shalt  }
0x5c: {  	_ =	shalt  }
0x5d: {  	_ =	shalt  }
0x5e: {  	_ =	shalt  }
0x5f: {  	_ =	shalt  }
0x60: {  	_ =	shalt  }
0x61: {  	_ =	shalt  }
0x62: {  	_ =	shalt  }
0x63: {  	_ =	shalt  }
0x64: {  	_ =	shalt  }
0x65: {  	_ =	shalt  }
0x66: {  	_ =	shalt  }
0x67: {  	_ =	shalt  }
0x68: {  	_ =	shalt  }
0x69: {  	_ =	shalt  }
0x6a: {  	_ =	shalt  }
0x6b: {  	_ =	shalt  }
0x6c: {  	_ =	shalt  }
0x6d: {  	_ =	shalt  }
0x6e: {  	_ =	shalt  }
0x6f: {  	_ =	shalt  }
0x70: {  	_ =	shalt  }
0x71: {  	_ =	shalt  }
0x72: {  	_ =	shalt  }
0x73: {  	_ =	shalt  }
0x74: {  	_ =	shalt  }
0x75: {  	_ =	shalt  }
0x76: {  	_ =	shalt  }
0x77: {  	_ =	shalt  }
0x78: {  	_ =	shalt  }
0x79: {  	_ =	shalt  }
0x7a: {  	_ =	shalt  }
0x7b: {  	_ =	shalt  }
0x7c: {  	_ =	shalt  }
0x7d: {  	_ =	shalt  }
0x7e: {  	_ =	shalt  }
0x7f: {  	_ =	shalt  }
0x80: {  	_ =	shalt  }
0x81: {  	_ =	shalt  }
0x82: {  	_ =	shalt  }
0x83: {  	_ =	shalt  }
0x84: {  	_ =	shalt  }
0x85: {  	_ =	shalt  }
0x86: {  	_ =	shalt  }
0x87: {  	_ =	shalt  }
.Lfunc_end0:
.L_simem_size_0:
called_computation_lowered:
.L_overlay_start_0:
0x88: {  	s2 =	sld [smem:$0x3FD9]  }
0x89: {  	s3 =	sld [smem:$0x3FFE];
	_ =	sdelay $0x1  }
0x8a: {  	s1 =	srdreg.scid  }
0x8b: {  	s0 =	sand.u32 $0x1, s1  }
0x8c: {  	s17 =	sshll.u32 s0, $0xA;
	s2 =	sadd.s32 s3, s2  }
0x8d: {  	s2 =	sadd.s32 s2, s17  }
0x8e: {  	[smem:$0x3FC4] =	sst s2  }
0x8f: {  	_ = 	snop  }
0x90: {  	s2 =	sld [smem:$0x3FC8]  }
0x91: {  	s18 =	sld [smem:$0x3FD0];
	(tm) =	ssettm $0x1  }
0x92: {  	s4 =	sld [smem:$0x3FFB];
	_ =	sdelay $0x3  }
0x93: {  	_ =	strace s4  }
0x94: {  	s4 =	sld [smem:$0x3FFC];
	_ =	sdelay $0x3  }
0x95: {  	_ =	strace s4  }
0x96: {  	s4 =	sld [smem:$0x3FFD];
	_ =	sdelay $0x3  }
0x97: {  	_ =	strace s4  }
0x98: {  	_ =	strace $0x8FFFFFFF  }
0x99: {  	s19 =	sld [smem:$0x3FDB];
	_ =	sdelay $0x1  }
0x9a: {  	s5 =	simm.s32 $_scs_section_size  }
0x9b: {  	s6 =	simm.s32 $_size__tile_overlayer_lowered;
	s7 =	simm.s32 $_tile_overlayer_lowered  }
0x9c: {  	s22 =	simm.s32 $0x1BFF;
	s21 =	sshll.u32 s7, $0x1;
	s4 =	sadd.s32 s5, s19  }
0x9d: {  	s8 =	simm.s32 $0x0;
	s20 =	sshll.u32 s6, $0x1;
	s6 =	sadd.s32 s21, s4  }
0x9e: {  	[timem:s8], [sflag:s22] =	dma.local [hbm:s6], s20  }
0x9f: {  	_ =	swait.ge [sflag:s22], s20  }
0xa0: {  	s5 =	ssub.s32 $0x0, s20;
	[sflag:s22] =	ssyncset.done $0x0  }
0xa1: {  	[sflag:s22] =	ssyncadd.s32 s5;
	_ =	sdelay $0x1  }
0xa2: {  	s23 =	simm.s32 $0x1B8B  }
0xa3: {  	_ =	swait.ge [sflag:s23], $0x1  }
0xa4: {  	[sflag:s23] =	ssyncset.done $0x0  }
0xa5: {  	s25 =	simm.s32 $0x1B8E;
	s24 =	sld [smem:$0x3FFE];
	[sflag:s23] =	ssyncadd.s32 $0xFFFFFFFF  }
0xa6: {  	s26 =	simm.s32 $execute0_lowered;
	[smem:$0x3FD2] =	sst s25  }
0xa7: {  	s6 =	sshll.u32 s26, $0x1;
	_ =	strace $0x80000046;
	[dreg:$0x1] =	wrdreg $0xFFFFFFFF  }
0xa8: {  	s28 =	simm.s32 $_size_execute0_lowered;
	s4 =	sadd.s32 s4, s6;
	[dreg:$0x0] =	wrdreg $0x0  }
0xa9: {  	s6 =	sshll.u32 s28, $0x1;
	[dreg:$0x2] =	wrdreg s4  }
0xaa: {  	[dreg:$0x3] =	wrdreg s6  }
0xab: {  	[dreg:$0x4] =	wrdreg $0xC0  }
0xac: {  	_ =	task [dreg:s8], $0x5FFFF  }
0xad: {  	[dreg:$0x1] =	wrdreg $0xFFFFFFFF  }
0xae: {  	[dreg:$0x0] =	wrdreg $0x60  }
0xaf: {  	[dreg:$0x2] =	wrdreg s24  }
0xb0: {  	[dreg:$0x3] =	wrdreg s2  }
0xb1: {  	[dreg:$0x4] =	wrdreg s18  }
0xb2: {  	[dreg:$0x5] =	wrdreg $0x9  }
0xb3: {  	_ =	task.clear_ibuf [dreg:s8], $0x6FFFF;
	_ =	strace $0x90000046  }
0xb4: {  	s29 =	simm.s32 $0x9;
	_ =	strace $0x80000048  }
0xb5: {  	_ =	swait.ge [sflag:s29], $0x1  }
0xb6: {  	[sflag:s29] =	ssyncadd.s32 $0xFFFFFFFF  }
0xb7: {  	_ =	strace $0x90000048  }
0xb8: {  	_ =	sfence  }
0xb9: {  	s30 =	sld [smem:$0x0];
	_ =	sdelay $0x2  }
0xba: {  	s31 =	sshll.u32 s1, $0xD;
	s1 =	sshrl.u32 s1, $0x2  }
0xbb: {  	s3 =	sand.u32 $0x4000, s31;
	s1 =	sadd.s32 s1, s30  }
0xbc: {  	s0 =	sor.u32 s3, s0;
	s1 =	sshll.u32 s1, $0x11  }
0xbd: {  	s0 =	sor.u32 s1, s0  }
0xbe: {  	s0 =	sadd.s32 $0x8F2B, s0  }
0xbf: {  	[sflag:s0] =	ssyncadd.remote.s32 $0x1  }
0xc0: {  	_ =	sfence.sel $0xFFFF  }
0xc1: {  	[dreg:$0x0] =	wrdreg $0xFFFFFFFF;
	(pc) =	sbr.abs _section_cstart, $3  }
0xc2: {  	[dreg:$0x1] =	wrdreg $0xFFFFFFFF  }
0xc3: {  	_ =	task.clear_ibuf [dreg:s8], $0x2FFFF;
	_ =	strace $0x9FFFFFFF  }
0xc4: {  	(tm) =	ssettm $0x7FFFFFFF  }
0xc5: {  	_ =	shalt  }
tec
execute0_lowered:
.L_overlay_start_1:
0x0: {  	(tag) =	ssettag $0x1  }
0x1: {  	s1 =	srdreg.scid;
	s0 =	stileid.u32  }
0x2: {  	s3 =	sand.u32 $0x1, s1;
	s4 =	sshll.u32 s0, $0x1  }
0x3: {  	s11 =	sor.u32 s3, s4;
	s3 =	ssub.s32 $0x2, s3  }
0x4: {  	s2 =	rddreg [dreg:$0x0];
	s29 =	sshrl.u32 s3, $0x1  }
0x5: {  	s4 =	sadd.s32 $0xA00, s2;
	s2 =	ssub.s32 s3, s29  }
0x6: {  	s8 =	rddreg [dreg:$0x1];
	s26 =	smul.u32 $0x28, s11;
	s2 =	smax.u32 s2, $0x1  }
0x7: {  	s10 =	rddreg [dreg:$0x2];
	s6 =	smul.u32 $0xA000, s11;
	s28 =	sadd.s32 $0xFFFFFFFF, s2  }
0x8: {  	s5 =	simm.s32 $0x0;
	s9 =	smul.u32 $0x1400, s11;
	p2 =	sne.s32 s28, $0x0  }
.Ltmp0:
0x9: {  	p1 =	por $0x0, $0x0;
	[smem:$0x7FF] =	sst s5;
	(pc) =	sbr.rel @!p2 .LBB2_3-.Ltmp0, $4  }
0xa: {  	s1 =	rddreg [dreg:$0x3];
	_ =	strace $0x80000047;
	p0 =	seq.s32 s11, $0x1F  }
0xb: {  	s7 =	sadd.s32 s8, s26;
	s30 =	sshrl.u32 s6, $0x3;
	s6 =	sadd.s32 s10, s9  }
0xc: {  	s9 =	sadd.s32 $0x4D8, s8;
	s8 =	sadd.s32 $0x26C00, s10;
	s31 =	sadd.s32 s10, s30  }
0xd: {  	s5 =	sadd.s32 $0x500, s31;
	s3 =	sadd.s32 $0xA00, s31;
	s2 =	sadd.s32 $0xF00, s31  }
0xe: {  	s10 =	simm.s32 @p0 $0x0;
	s11 =	simm.s32 @p0 $0x3  }
0xf: {  	[tilespmem:s10], [sflag:$0x3] =	stream.linear.gather @p0 [hbm4b:s9+s10], $0x50, $0x38;
	[tilespmem:$0xA180] =	vst v63  }
0x10: {  	_ =	swait.ge @p0 [sflag:s11], $0x50  }
0x11: {  	s12 =	simm.s32 @p0 $0x1;
	[sflag:s11] =	ssyncset.done @p0 $0x0  }
0x12: {  	s13 =	simm.s32 @p0 $0x50;
	s14 =	simm.s32 @p0 $0x180;
	[sflag:s11] =	ssyncadd.s32 @p0 $0xFFFFFFB0  }
0x13: {  	[tilespmem:s14], [sflag:$0x1] =	stream.indirect.gather @p0 [hbm4b:s4+s13], $0x80, s10, s13, $0xb8;
	[tilespmem:$0xA180] =	vst v63  }
0x14: {  	_ =	swait.ge @p0 [sflag:s12], $0x2800  }
0x15: {  	[sflag:s12] =	ssyncset.done @p0 $0x0  }
0x16: {  	[sflag:s12] =	ssyncadd.s32 @p0 $0xFFFFD800  }
0x17: {  	[hbm4b:s8+s10] =	stream.linear.scatter @p0 [tilespmem:s14], [sflag:$0x3], $0x2800, $0x38;
	[tilespmem:$0xA180] =	vst v63  }
0x18: {  	s15 =	simm.s32 @!p0 $0x0;
	s16 =	simm.s32 @!p0 $0x3  }
0x19: {  	[tilespmem:s15], [sflag:$0x3] =	stream.linear.gather @!p0 [hbm4b:s7+s15], $0x140, $0x38;
	[tilespmem:$0xA180] =	vst v63  }
0x1a: {  	_ =	swait.ge @!p0 [sflag:s16], $0x140  }
0x1b: {  	[sflag:s16] =	ssyncset.done @!p0 $0x0  }
0x1c: {  	s17 =	simm.s32 @!p0 $0x50;
	s18 =	simm.s32 @!p0 $0x180;
	[sflag:s16] =	ssyncadd.s32 @!p0 $0xFFFFFEC0  }
0x1d: {  	[tilespmem:s18], [sflag:$0x1] =	stream.indirect.gather @!p0 [hbm4b:s4+s17], $0x80, s15, s17, $0xb8;
	[tilespmem:$0xA180] =	vst v63  }
0x1e: {  	s19 =	simm.s32 @!p0 $0x2980  }
0x1f: {  	[tilespmem:s19], [sflag:$0x1] =	stream.indirect.gather @!p0 [hbm4b:s4+s17], $0x80, s17, s17, $0xb8;
	[tilespmem:$0xA180] =	vst v63  }
0x20: {  	s20 =	simm.s32 @!p0 $0xA0;
	s21 =	simm.s32 @!p0 $0x5180  }
0x21: {  	[tilespmem:s21], [sflag:$0x1] =	stream.indirect.gather @!p0 [hbm4b:s4+s17], $0x80, s20, s17, $0xb8;
	[tilespmem:$0xA180] =	vst v63  }
0x22: {  	s22 =	simm.s32 @!p0 $0xF0;
	s23 =	simm.s32 @!p0 $0x7980;
	s24 =	simm.s32 @!p0 $0x1  }
0x23: {  	[tilespmem:s23], [sflag:$0x1] =	stream.indirect.gather @!p0 [hbm4b:s4+s17], $0x80, s22, s17, $0xb8;
	[tilespmem:$0xA180] =	vst v63  }
0x24: {  	_ =	swait.ge @!p0 [sflag:s24], $0x2800  }
0x25: {  	[sflag:s24] =	ssyncset.done @!p0 $0x0  }
0x26: {  	[sflag:s24] =	ssyncadd.s32 @!p0 $0xFFFFD800  }
0x27: {  	[hbm4b:s6+s15] =	stream.linear.scatter @!p0 [tilespmem:s18], [sflag:$0x2], $0x2800, $0x38;
	[tilespmem:$0xA180] =	vst v63  }
0x28: {  	_ =	swait.ge @!p0 [sflag:s24], $0x2800  }
0x29: {  	[sflag:s24] =	ssyncset.done @!p0 $0x0  }
0x2a: {  	[sflag:s24] =	ssyncadd.s32 @!p0 $0xFFFFD800  }
0x2b: {  	[hbm4b:s5+s15] =	stream.linear.scatter @!p0 [tilespmem:s19], [sflag:$0x2], $0x2800, $0x38;
	[tilespmem:$0xA180] =	vst v63  }
0x2c: {  	_ =	swait.ge @!p0 [sflag:s24], $0x2800  }
0x2d: {  	[sflag:s24] =	ssyncset.done @!p0 $0x0  }
0x2e: {  	[sflag:s24] =	ssyncadd.s32 @!p0 $0xFFFFD800  }
0x2f: {  	[hbm4b:s3+s15] =	stream.linear.scatter @!p0 [tilespmem:s21], [sflag:$0x2], $0x2800, $0x38;
	[tilespmem:$0xA180] =	vst v63  }
0x30: {  	_ =	swait.ge @!p0 [sflag:s24], $0x2800  }
0x31: {  	[sflag:s24] =	ssyncset.done @!p0 $0x0  }
0x32: {  	s25 =	simm.s32 @!p0 $0x2;
	[sflag:s24] =	ssyncadd.s32 @!p0 $0xFFFFD800  }
0x33: {  	[hbm4b:s2+s15] =	stream.linear.scatter @!p0 [tilespmem:s23], [sflag:$0x2], $0x2800, $0x38;
	[tilespmem:$0xA180] =	vst v63  }
0x34: {  	_ =	swait.ge @!p0 [sflag:s25], $0x2800  }
0x35: {  	[sflag:s25] =	ssyncset.done @!p0 $0x0  }
0x36: {  	[sflag:s25] =	ssyncadd.s32 @!p0 $0xFFFFD800  }
0x37: {  	_ =	swait.ge @!p0 [sflag:s25], $0x2800  }
0x38: {  	s28 =	sadd.s32 $0xFFFFFFFF, s28;
	[sflag:s25] =	ssyncset.done @!p0 $0x0  }
0x39: {  	p2 =	sne.s32 s28, $0x0;
	[sflag:s25] =	ssyncadd.s32 @!p0 $0xFFFFD800  }
.Ltmp1:
0x3a: {  	_ =	swait.ge @!p0 [sflag:s25], $0x2800;
	(pc) =	sbr.rel @!p2 .LBB2_3-.Ltmp1, $4  }
0x3b: {  	s26 =	simm.s32 @!p0 $0x2;
	[sflag:s25] =	ssyncset.done @!p0 $0x0  }
0x3c: {  	s26 =	simm.s32 @p0 $0x3;
	[sflag:s25] =	ssyncadd.s32 @!p0 $0xFFFFD800  }
0x3d: {  	_ =	swait.ge [sflag:s26], $0x2800  }
0x3e: {  	p1 =	por $0x1, $0x1;
	[sflag:s26] =	ssyncset.done $0x0  }
.LBB2_2:
0x3f: {  	[sflag:s26] =	ssyncadd.s32 $0xFFFFD800  }
0x40: {  	[tilespmem:s10], [sflag:$0x3] =	stream.linear.gather @p0 [hbm4b:s9+s10], $0x50, $0x38;
	[tilespmem:$0xA180] =	vst v63  }
0x41: {  	s28 =	sadd.s32 $0xFFFFFFFF, s28;
	_ =	swait.ge @p0 [sflag:s11], $0x50  }
0x42: {  	p2 =	sne.s32 s28, $0x0;
	[sflag:s11] =	ssyncset.done @p0 $0x0  }
0x43: {  	[sflag:s11] =	ssyncadd.s32 @p0 $0xFFFFFFB0  }
0x44: {  	[tilespmem:s14], [sflag:$0x1] =	stream.indirect.gather @p0 [hbm4b:s4+s13], $0x80, s10, s13, $0xb8;
	[tilespmem:$0xA180] =	vst v63  }
0x45: {  	_ =	swait.ge @p0 [sflag:s12], $0x2800  }
0x46: {  	[sflag:s12] =	ssyncset.done @p0 $0x0  }
0x47: {  	[sflag:s12] =	ssyncadd.s32 @p0 $0xFFFFD800  }
0x48: {  	[hbm4b:s8+s10] =	stream.linear.scatter @p0 [tilespmem:s14], [sflag:$0x3], $0x2800, $0x38;
	[tilespmem:$0xA180] =	vst v63  }
0x49: {  	_ = 	snop  }
0x4a: {  	[tilespmem:s15], [sflag:$0x3] =	stream.linear.gather @!p0 [hbm4b:s7+s15], $0x140, $0x38;
	[tilespmem:$0xA180] =	vst v63  }
0x4b: {  	_ =	swait.ge @!p0 [sflag:s16], $0x140  }
0x4c: {  	[sflag:s16] =	ssyncset.done @!p0 $0x0  }
0x4d: {  	[sflag:s16] =	ssyncadd.s32 @!p0 $0xFFFFFEC0  }
0x4e: {  	[tilespmem:s18], [sflag:$0x1] =	stream.indirect.gather @!p0 [hbm4b:s4+s17], $0x80, s15, s17, $0xb8;
	[tilespmem:$0xA180] =	vst v63  }
0x4f: {  	_ = 	snop  }
0x50: {  	[tilespmem:s19], [sflag:$0x1] =	stream.indirect.gather @!p0 [hbm4b:s4+s17], $0x80, s17, s17, $0xb8;
	[tilespmem:$0xA180] =	vst v63  }
0x51: {  	_ = 	snop  }
0x52: {  	[tilespmem:s21], [sflag:$0x1] =	stream.indirect.gather @!p0 [hbm4b:s4+s17], $0x80, s20, s17, $0xb8;
	[tilespmem:$0xA180] =	vst v63  }
0x53: {  	_ = 	snop  }
0x54: {  	[tilespmem:s23], [sflag:$0x1] =	stream.indirect.gather @!p0 [hbm4b:s4+s17], $0x80, s22, s17, $0xb8;
	[tilespmem:$0xA180] =	vst v63  }
0x55: {  	_ =	swait.ge @!p0 [sflag:s24], $0x2800  }
0x56: {  	[sflag:s24] =	ssyncset.done @!p0 $0x0  }
0x57: {  	[sflag:s24] =	ssyncadd.s32 @!p0 $0xFFFFD800  }
0x58: {  	[hbm4b:s6+s15] =	stream.linear.scatter @!p0 [tilespmem:s18], [sflag:$0x2], $0x2800, $0x38;
	[tilespmem:$0xA180] =	vst v63  }
0x59: {  	_ =	swait.ge @!p0 [sflag:s24], $0x2800  }
0x5a: {  	[sflag:s24] =	ssyncset.done @!p0 $0x0  }
0x5b: {  	[sflag:s24] =	ssyncadd.s32 @!p0 $0xFFFFD800  }
0x5c: {  	[hbm4b:s5+s15] =	stream.linear.scatter @!p0 [tilespmem:s19], [sflag:$0x2], $0x2800, $0x38;
	[tilespmem:$0xA180] =	vst v63  }
0x5d: {  	_ =	swait.ge @!p0 [sflag:s24], $0x2800  }
0x5e: {  	[sflag:s24] =	ssyncset.done @!p0 $0x0  }
0x5f: {  	[sflag:s24] =	ssyncadd.s32 @!p0 $0xFFFFD800  }
0x60: {  	[hbm4b:s3+s15] =	stream.linear.scatter @!p0 [tilespmem:s21], [sflag:$0x2], $0x2800, $0x38;
	[tilespmem:$0xA180] =	vst v63  }
0x61: {  	_ =	swait.ge @!p0 [sflag:s24], $0x2800  }
0x62: {  	[sflag:s24] =	ssyncset.done @!p0 $0x0  }
0x63: {  	[sflag:s24] =	ssyncadd.s32 @!p0 $0xFFFFD800  }
0x64: {  	[hbm4b:s2+s15] =	stream.linear.scatter @!p0 [tilespmem:s23], [sflag:$0x2], $0x2800, $0x38;
	[tilespmem:$0xA180] =	vst v63  }
0x65: {  	_ =	swait.ge @!p0 [sflag:s25], $0x2800  }
0x66: {  	[sflag:s25] =	ssyncset.done @!p0 $0x0  }
0x67: {  	[sflag:s25] =	ssyncadd.s32 @!p0 $0xFFFFD800  }
0x68: {  	_ =	swait.ge @!p0 [sflag:s25], $0x2800  }
0x69: {  	[sflag:s25] =	ssyncset.done @!p0 $0x0  }
0x6a: {  	[sflag:s25] =	ssyncadd.s32 @!p0 $0xFFFFD800  }
.Ltmp2:
0x6b: {  	_ =	swait.ge @!p0 [sflag:s25], $0x2800;
	(pc) =	sbr.rel @p2 .LBB2_2-.Ltmp2, $4  }
0x6c: {  	[sflag:s25] =	ssyncset.done @!p0 $0x0  }
0x6d: {  	[sflag:s25] =	ssyncadd.s32 @!p0 $0xFFFFD800  }
0x6e: {  	_ =	swait.ge [sflag:s26], $0x2800  }
0x6f: {  	[sflag:s26] =	ssyncset.done $0x0  }
.LBB2_3:
0x70: {  	s10 =	simm.s32 @p0 $0x0;
	s11 =	simm.s32 @p0 $0x3;
	[sflag:s26] =	ssyncadd.s32 @p1 $0xFFFFD800  }
0x71: {  	[tilespmem:s10], [sflag:$0x3] =	stream.linear.gather @p0 [hbm4b:s9+s10], $0x50, $0x38;
	[tilespmem:$0xA180] =	vst v63  }
0x72: {  	_ =	swait.ge @p0 [sflag:s11], $0x50  }
0x73: {  	s12 =	simm.s32 @p0 $0x180;
	[sflag:s11] =	ssyncset.done @p0 $0x0  }
0x74: {  	s9 =	simm.s32 @p0 $0x1;
	[sflag:s11] =	ssyncadd.s32 @p0 $0xFFFFFFB0;
	s11 =	simm.s32 @p0 $0x50  }
0x75: {  	[tilespmem:s12], [sflag:$0x1] =	stream.indirect.gather @p0 [hbm4b:s4+s11], $0x80, s10, s11, $0xb8;
	[tilespmem:$0xA180] =	vst v63  }
0x76: {  	_ =	swait.ge @p0 [sflag:s9], $0x2800  }
0x77: {  	[sflag:s9] =	ssyncset.done @p0 $0x0  }
0x78: {  	[sflag:s9] =	ssyncadd.s32 @p0 $0xFFFFD800  }
0x79: {  	[hbm4b:s8+s10] =	stream.linear.scatter @p0 [tilespmem:s12], [sflag:$0x3], $0x2800, $0x38;
	[tilespmem:$0xA180] =	vst v63  }
0x7a: {  	s9 =	simm.s32 @!p0 $0x3;
	s8 =	simm.s32 @!p0 $0x0  }
0x7b: {  	[tilespmem:s8], [sflag:$0x3] =	stream.linear.gather @!p0 [hbm4b:s7+s8], $0x140, $0x38;
	[tilespmem:$0xA180] =	vst v63  }
0x7c: {  	_ =	swait.ge @!p0 [sflag:s9], $0x140  }
0x7d: {  	[sflag:s9] =	ssyncset.done @!p0 $0x0  }
0x7e: {  	s7 =	simm.s32 @!p0 $0x50;
	[sflag:s9] =	ssyncadd.s32 @!p0 $0xFFFFFEC0;
	s9 =	simm.s32 @!p0 $0x180  }
0x7f: {  	[tilespmem:s9], [sflag:$0x1] =	stream.indirect.gather @!p0 [hbm4b:s4+s7], $0x80, s8, s7, $0xb8;
	[tilespmem:$0xA180] =	vst v63  }
0x80: {  	s10 =	simm.s32 @!p0 $0x2980  }
0x81: {  	[tilespmem:s10], [sflag:$0x1] =	stream.indirect.gather @!p0 [hbm4b:s4+s7], $0x80, s7, s7, $0xb8;
	[tilespmem:$0xA180] =	vst v63  }
0x82: {  	s11 =	simm.s32 @!p0 $0xA0;
	s12 =	simm.s32 @!p0 $0x5180  }
0x83: {  	[tilespmem:s12], [sflag:$0x1] =	stream.indirect.gather @!p0 [hbm4b:s4+s7], $0x80, s11, s7, $0xb8;
	[tilespmem:$0xA180] =	vst v63  }
0x84: {  	s13 =	simm.s32 @!p0 $0x7980;
	s14 =	simm.s32 @!p0 $0x1;
	s11 =	simm.s32 @!p0 $0xF0  }
0x85: {  	[tilespmem:s13], [sflag:$0x1] =	stream.indirect.gather @!p0 [hbm4b:s4+s7], $0x80, s11, s7, $0xb8;
	[tilespmem:$0xA180] =	vst v63  }
0x86: {  	_ =	swait.ge @!p0 [sflag:s14], $0x2800  }
0x87: {  	[sflag:s14] =	ssyncset.done @!p0 $0x0  }
0x88: {  	[sflag:s14] =	ssyncadd.s32 @!p0 $0xFFFFD800  }
0x89: {  	[hbm4b:s6+s8] =	stream.linear.scatter @!p0 [tilespmem:s9], [sflag:$0x2], $0x2800, $0x38;
	[tilespmem:$0xA180] =	vst v63  }
0x8a: {  	_ =	swait.ge @!p0 [sflag:s14], $0x2800  }
0x8b: {  	[sflag:s14] =	ssyncset.done @!p0 $0x0  }
0x8c: {  	[sflag:s14] =	ssyncadd.s32 @!p0 $0xFFFFD800  }
0x8d: {  	[hbm4b:s5+s8] =	stream.linear.scatter @!p0 [tilespmem:s10], [sflag:$0x2], $0x2800, $0x38;
	[tilespmem:$0xA180] =	vst v63  }
0x8e: {  	_ =	swait.ge @!p0 [sflag:s14], $0x2800  }
0x8f: {  	[sflag:s14] =	ssyncset.done @!p0 $0x0  }
0x90: {  	[sflag:s14] =	ssyncadd.s32 @!p0 $0xFFFFD800  }
0x91: {  	[hbm4b:s3+s8] =	stream.linear.scatter @!p0 [tilespmem:s12], [sflag:$0x2], $0x2800, $0x38;
	[tilespmem:$0xA180] =	vst v63  }
0x92: {  	_ =	swait.ge @!p0 [sflag:s14], $0x2800  }
0x93: {  	[sflag:s14] =	ssyncset.done @!p0 $0x0  }
0x94: {  	s3 =	simm.s32 @!p0 $0x2;
	[sflag:s14] =	ssyncadd.s32 @!p0 $0xFFFFD800  }
0x95: {  	[hbm4b:s2+s8] =	stream.linear.scatter @!p0 [tilespmem:s13], [sflag:$0x2], $0x2800, $0x38;
	[tilespmem:$0xA180] =	vst v63  }
0x96: {  	_ =	swait.ge @!p0 [sflag:s3], $0x2800  }
0x97: {  	[sflag:s3] =	ssyncset.done @!p0 $0x0  }
0x98: {  	[sflag:s3] =	ssyncadd.s32 @!p0 $0xFFFFD800  }
0x99: {  	_ =	swait.ge @!p0 [sflag:s3], $0x2800  }
0x9a: {  	[sflag:s3] =	ssyncset.done @!p0 $0x0  }
0x9b: {  	[sflag:s3] =	ssyncadd.s32 @!p0 $0xFFFFD800  }
0x9c: {  	_ =	swait.ge @!p0 [sflag:s3], $0x2800  }
0x9d: {  	[sflag:s3] =	ssyncset.done @!p0 $0x0  }
0x9e: {  	[sflag:s3] =	ssyncadd.s32 @!p0 $0xFFFFD800;
	s3 =	simm.s32 @p0 $0x3  }
0x9f: {  	_ =	swait.ge [sflag:s3], $0x2800  }
0xa0: {  	[sflag:s3] =	ssyncset.done $0x0  }
0xa1: {  	[sflag:s3] =	ssyncadd.s32 $0xFFFFD800  }
0xa2: {  	_ =	sfence.sel $0x180000  }
0xa3: {  	[bflag:$0x0] =	sbarrier.arrive $0xFFFF  }
0xa4: {  	p0 =	sne.s32 s0, $0x0;
	_ =	strace $0x90000047  }
0xa5: {  	s0 =	sadd.s32 @!p0 $0x100000, s1;
	[bflag:$0x2] =	sbarrier.arrive $0xFFFF  }
0xa6: {  	[sflag:s0] =	ssyncadd.tile.s32 @!p0 $0x1;
	_ =	shalt  }
.Lfunc_end2:
_tile_overlayer_lowered:
.L_overlay_start_2:
0xa7: {  	(tag) =	ssettag $0x2  }
0xa8: {  	s0 =	rddreg [dreg:$0x0];
	s2 =	stileid.u32  }
0xa9: {  	s1 =	rddreg [dreg:$0x1];
	p0 =	sne.s32 s2, $0x0  }
0xaa: {  	s3 =	rddreg [dreg:$0x2];
	[bflag:$0x3] =	sbarrier.arrive $0xFFFF;
	s2 =	simm.s32 @!p0 $0x1C03  }
0xab: {  	[timem:s3], [sflag:s2] =	dma.local @!p0 [hbm:s0], s1  }
0xac: {  	s0 =	simm.s32 @!p0 $0x3  }
0xad: {  	_ =	swait.ge @!p0 [sflag:s0], s1  }
0xae: {  	s1 =	ssub.s32 @!p0 $0x0, s1;
	[sflag:s0] =	ssyncset.done @!p0 $0x0  }
0xaf: {  	[sflag:s0] =	ssyncadd.s32 @!p0 s1  }
0xb0: {  	[bflag:$0x3] =	sbarrier.arrive $0xFFFF  }
0xb1: {  	_ =	shalt  }

</sc_bundles>
